<compile_context>
chip_gen: v7x
topology: tpu7x:2x2x1
jax: 0.10.2.dev20260603
libtpu: 0.0.44.dev20260713+nightly
codegen_flags: <defaults>
</compile_context>

<pallas_src>
import jax
import jax.numpy as jnp
from jax.experimental import pallas as pl

_BATCH_BLOCK = 16


def _add_row_kernel(x_ref, t_ref, o_ref):
    o_ref[...] = x_ref[...] + t_ref[...]


def kernel(encoded_patches, position_table):
    batch, num_patches, dim = encoded_patches.shape
    flat = num_patches * dim
    x2 = encoded_patches.reshape(batch, flat)
    t2 = position_table.reshape(1, flat)
    out = pl.pallas_call(
        _add_row_kernel,
        grid=(batch // _BATCH_BLOCK,),
        in_specs=[
            pl.BlockSpec((_BATCH_BLOCK, flat), lambda i: (i, 0)),
            pl.BlockSpec((1, flat), lambda i: (0, 0)),
        ],
        out_specs=pl.BlockSpec((_BATCH_BLOCK, flat), lambda i: (i, 0)),
        out_shape=jax.ShapeDtypeStruct((batch, flat), encoded_patches.dtype),
    )(x2, t2)
    return out.reshape(batch, num_patches, dim)

# --- scband reference (transcript-rebuilt; emitter-appended) ---
"""Pipeline reference for scband-patch-encoder-11879879542110 (READ-ONLY COPY).

The authoritative reference and input builder live on the scoring server;
editing this copy changes nothing except your own understanding.
"""

import jax, jax.numpy as jnp
import numpy as np

NUM_PATCHES = 1024
PROJECTION_DIM = 96

def setup_inputs(seed: int = 0) -> dict:
    key = jax.random.key(seed)
    k1, k2 = jax.random.split(key)
    encoded_patches = jax.random.normal(k1, (256, NUM_PATCHES, PROJECTION_DIM), dtype=jnp.float32)
    # Embedding table for position embeddings (learned parameter)
    position_table = jax.random.uniform(k2, (NUM_PATCHES, PROJECTION_DIM), dtype=jnp.float32, minval=-0.05, maxval=0.05)
    return {"encoded_patches": encoded_patches, "position_table": position_table}

def reference(encoded_patches, position_table):
    positions = jnp.arange(NUM_PATCHES)
    encoded_positions = jnp.take(position_table, positions, axis=0)
    return encoded_patches + encoded_positions

if __name__ == "__main__":
    import jax
    _d = setup_inputs()
    print(jax.jit(kernel)(*tuple(_d.values())))

</pallas_src>

<mosaic_0001>
module attributes {stable_mosaic.version = 14 : i64} {
  func.func @_add_row_kernel(%arg0: i32, %arg1: memref<16x98304xf32, #tpu.memory_space<vmem>>, %arg2: memref<1x98304xf32, #tpu.memory_space<vmem>>, %arg3: memref<16x98304xf32, #tpu.memory_space<vmem>>) attributes {dimension_semantics = [#tpu.dimension_semantics<arbitrary>], iteration_bounds = array<i64: 16>, scalar_prefetch = 0 : i64, scratch_operands = 0 : i64, tpu.core_type = #tpu.core_type<tc>, window_params = [{transform_indices = @transform_0, window_bounds = array<i64: 16, 98304>}, {pipeline_mode = #tpu.pipeline_mode<synchronous>, transform_indices = @transform_1, window_bounds = array<i64: 1, 98304>}, {transform_indices = @transform_2, window_bounds = array<i64: 16, 98304>}]} {
    %get3A = arith.constant 0 : index
    %get3A_0 = arith.constant 0 : index
    %get3A_1 = vector.load %arg1[%get3A, %get3A_0] : memref<16x98304xf32, #tpu.memory_space<vmem>>, vector<16x98304xf32>
    %get3A_2 = arith.constant 0 : index
    %get3A_3 = arith.constant 0 : index
    %get3A_4 = vector.load %arg2[%get3A_2, %get3A_3] : memref<1x98304xf32, #tpu.memory_space<vmem>>, vector<1x98304xf32>
    %add3A = vector.broadcast %get3A_4 : vector<1x98304xf32> to vector<16x98304xf32>
    %add3A_5 = arith.addf %get3A_1, %add3A : vector<16x98304xf32>
    %swap3A = arith.constant 0 : index
    %swap3A_6 = arith.constant 0 : index
    %swap3A_7 = vector.load %arg3[%swap3A, %swap3A_6] : memref<16x98304xf32, #tpu.memory_space<vmem>>, vector<16x98304xf32>
    tpu.vector_store %arg3[%swap3A, %swap3A_6], %add3A_5 {strides = array<i32>} : memref<16x98304xf32, #tpu.memory_space<vmem>>, vector<16x98304xf32>,
    return
  }
  func.func @transform_0(%arg0: i32) -> (i32, i32) {
    %c0_i32 = arith.constant 0 : i32
    %c0_i32_0 = arith.constant 0 : i32
    return %arg0, %c0_i32 : i32, i32
  }
  func.func @transform_1(%arg0: i32) -> (i32, i32) {
    %c0_i32 = arith.constant 0 : i32
    %c0_i32_0 = arith.constant 0 : i32
    %c0_i32_1 = arith.constant 0 : i32
    return %c0_i32, %c0_i32_0 : i32, i32
  }
  func.func @transform_2(%arg0: i32) -> (i32, i32) {
    %c0_i32 = arith.constant 0 : i32
    %c0_i32_0 = arith.constant 0 : i32
    return %arg0, %c0_i32 : i32, i32
  }
}

</mosaic_0001>

<sc_bundles>
// kernel: sparse-core-data-format-call.cloned.1.call-start
scs
called_computation_lowered:
.L_overlay_start_0:
0x0: {  	s2 =	sld [smem:$0x3FD9]  }
0x1: {  	s3 =	sld [smem:$0x3FFE];
	_ =	sdelay $0x1  }
0x2: {  	s1 =	srdreg.scid  }
0x3: {  	s0 =	sand.u32 $0x1, s1  }
0x4: {  	s18 =	sshll.u32 s0, $0xA;
	s2 =	sadd.s32 s3, s2  }
0x5: {  	s2 =	sadd.s32 s2, s18  }
0x6: {  	[smem:$0x3FC6] =	sst s2  }
0x7: {  	_ = 	snop  }
0x8: {  	s2 =	sld [smem:$0x3FD0];
	(tm) =	ssettm $0x1  }
0x9: {  	s19 =	sld [smem:$0x3FFB];
	_ =	sdelay $0x3  }
0xa: {  	_ =	strace s19  }
0xb: {  	s3 =	sld [smem:$0x3FFC];
	_ =	sdelay $0x3  }
0xc: {  	_ =	strace s3  }
0xd: {  	s3 =	sld [smem:$0x3FFD];
	_ =	sdelay $0x3  }
0xe: {  	_ =	strace s3  }
0xf: {  	_ =	strace $0x8FFFFFFF  }
0x10: {  	s20 =	sld [smem:$0x3FDB];
	_ =	sdelay $0x1  }
0x11: {  	s4 =	simm.s32 $_scs_section_size  }
0x12: {  	s5 =	simm.s32 $_size__tile_overlayer_lowered;
	s6 =	simm.s32 $_tile_overlayer_lowered  }
0x13: {  	s23 =	simm.s32 $0x1BFF;
	s22 =	sshll.u32 s6, $0x1;
	s3 =	sadd.s32 s4, s20  }
0x14: {  	s7 =	simm.s32 $0x0;
	s21 =	sshll.u32 s5, $0x1;
	s5 =	sadd.s32 s22, s3  }
0x15: {  	[timem:s7], [sflag:s23] =	dma.local [hbm:s5], s21  }
0x16: {  	_ =	swait.ge [sflag:s23], s21  }
0x17: {  	s4 =	ssub.s32 $0x0, s21;
	[sflag:s23] =	ssyncset.done $0x0  }
0x18: {  	[sflag:s23] =	ssyncadd.s32 s4;
	_ =	sdelay $0x1  }
0x19: {  	s24 =	simm.s32 $0x1B8B  }
0x1a: {  	_ =	swait.ge [sflag:s24], $0x1  }
0x1b: {  	[sflag:s24] =	ssyncset.done $0x0  }
0x1c: {  	s26 =	simm.s32 $0x1B8E;
	s25 =	sld [smem:$0x3FFE];
	[sflag:s24] =	ssyncadd.s32 $0xFFFFFFFF  }
0x1d: {  	s27 =	simm.s32 $execute0_lowered;
	[smem:$0x3FD2] =	sst s26  }
0x1e: {  	s5 =	sshll.u32 s27, $0x1;
	_ =	strace $0x80000046;
	[dreg:$0x1] =	wrdreg $0xFFFFFFFF  }
0x1f: {  	s28 =	simm.s32 $_size_execute0_lowered;
	s3 =	sadd.s32 s3, s5;
	[dreg:$0x0] =	wrdreg $0x0  }
0x20: {  	s5 =	sshll.u32 s28, $0x1;
	[dreg:$0x2] =	wrdreg s3  }
0x21: {  	[dreg:$0x3] =	wrdreg s5  }
0x22: {  	[dreg:$0x4] =	wrdreg $0xC0  }
0x23: {  	_ =	task [dreg:s7], $0x5FFFF  }
0x24: {  	[dreg:$0x1] =	wrdreg $0xFFFFFFFF  }
0x25: {  	[dreg:$0x0] =	wrdreg $0x60  }
0x26: {  	[dreg:$0x2] =	wrdreg s25  }
0x27: {  	[dreg:$0x3] =	wrdreg s2  }
0x28: {  	[dreg:$0x4] =	wrdreg $0x9  }
0x29: {  	_ =	task.clear_ibuf [dreg:s7], $0x5FFFF;
	_ =	strace $0x90000046  }
0x2a: {  	s29 =	simm.s32 $0x9;
	_ =	strace $0x80000048  }
0x2b: {  	_ =	swait.ge [sflag:s29], $0x1  }
0x2c: {  	[sflag:s29] =	ssyncadd.s32 $0xFFFFFFFF  }
0x2d: {  	_ =	strace $0x90000048  }
0x2e: {  	_ =	sfence  }
0x2f: {  	s30 =	sld [smem:$0x0];
	_ =	sdelay $0x2  }
0x30: {  	s31 =	sshll.u32 s1, $0xD;
	s1 =	sshrl.u32 s1, $0x2  }
0x31: {  	s3 =	sand.u32 $0x4000, s31;
	s1 =	sadd.s32 s1, s30  }
0x32: {  	s0 =	sor.u32 s3, s0;
	s1 =	sshll.u32 s1, $0x11  }
0x33: {  	s0 =	sor.u32 s1, s0  }
0x34: {  	s0 =	sadd.s32 $0x8F2B, s0  }
0x35: {  	[sflag:s0] =	ssyncadd.remote.s32 $0x1  }
0x36: {  	_ =	sfence.sel $0xFFFF  }
0x37: {  	[dreg:$0x0] =	wrdreg $0xFFFFFFFF;
	(pc) =	sbr.abs _section_cstart, $3  }
0x38: {  	[dreg:$0x1] =	wrdreg $0xFFFFFFFF  }
0x39: {  	_ =	task.clear_ibuf [dreg:s7], $0x2FFFF;
	_ =	strace $0x9FFFFFFF  }
0x3a: {  	(tm) =	ssettm $0x7FFFFFFF  }
0x3b: {  	_ =	shalt  }
tec
execute0_lowered:
.L_overlay_start_1:
0x0: {  	(tag) =	ssettag $0x1  }
0x1: {  	s4 =	rddreg [dreg:$0x0]  }
0x2: {  	s0 =	stileid.u32;
	s2 =	rddreg [dreg:$0x1]  }
0x3: {  	s7 =	srdreg.scid;
	s8 =	simm.s32 $0x2;
	s15 =	simm.s32 $0x0  }
0x4: {  	s9 =	simm.s32 $0x18000;
	s16 =	simm.s32 $0x0;
	s1 =	sshll.u32 s0, $0x7  }
0x5: {  	s14 =	simm.s32 $0x0;
	s10 =	simm.s32 $0x0;
	s3 =	sand.u32 $0x380, s1  }
0x6: {  	s13 =	simm.s32 $0x0;
	s7 =	sshll.u32 s7, $0x4;
	s5 =	ssub.s32 $0x400, s3  }
0x7: {  	s4 =	sadd.s32 $0x400, s4;
	s1 =	rddreg [dreg:$0x2];
	s6 =	sand.u32 $0x380, s5  }
0x8: {  	s7 =	sand.u32 $0x10, s7;
	p0 =	sne.s32 s6, $0x0;
	s6 =	simm.s32 $0x1  }
.Ltmp0:
0x9: {  	s5 =	sshrl.u32 s5, $0xA;
	s6 =	simm.s32 @!p0 $0x0;
	(pc) =	sbr.rel .LBB1_1-.Ltmp0, $4  }
0xa: {  	_ =	strace $0x80000047;
	s7 =	sor.u32 s0, s7;
	s6 =	sadd.s32 s6, s5  }
0xb: {  	s7 =	sshrl.u32 s7, $0x3;
	s5 =	simm.s32 $0x1;
	s6 =	smul.u32 $0x30, s6  }
0xc: {  	s12 =	smov.u32 s3;
	s11 =	smov.u32 s7;
	[sflag:s5] =	ssyncpa.u1 $0x0  }
0xd: {  	p0 =	por $0x0, $0x0;
	[sflag:s8] =	ssyncpa.u1 $0x0;
	s8 =	sor.u32 $0x1, s6  }
.LBB1_4:
0xe: {  	v5 =	vld [tilespmem:s20+$0xFFFFFFD0];
	[tilespmem:s19+$0x2040 ss:$0x81] =	vst.msk $0xffff, v4  }
0xf: {  	s22 =	sshll.u32 s16, $0xA;
	s23 =	sshll.u32 s14, $0x3;
	v58 =	vld [tilespmem:s20+$0xFFFFFFE0];
	[tilespmem:s19+$0x2850 ss:$0x81] =	vst.msk $0xffff, v3  }
0x10: {  	s21 =	sshra.s32 s21, $0x2;
	v59 =	vld [tilespmem:s20+$0xFFFFFFF0];
	[tilespmem:s19+$0x3060 ss:$0x81] =	vst.msk $0xffff, v2;
	s22 =	sand.u32 $0xFFFFE000, s22;
	s23 =	sand.u32 $0xFFFFFC00, s23  }
0x11: {  	v60 =	vld [tilespmem:s20+$0x0];
	[tilespmem:s19+$0x0 ss:$0x81] =	vst.msk $0xffff, v0;
	s18 =	sadd.s32 s21, s18;
	s22 =	sadd.s32 s23, s22  }
0x12: {  	v61 =	vld [tilespmem:s20+$0x10];
	[tilespmem:s18+$0x3870 ss:$0x81] =	vst.msk $0xffff, v1;
	s26 =	sshrl.u32 s22, $0xA  }
0x13: {  	v62 =	vld [tilespmem:s20+$0x20];
	s27 =	smulhi.u32 $0x2AAAAAB, s26;
	[tilespmem:s18+$0x810 ss:$0x81] =	vst.msk $0xffff, v5  }
0x14: {  	v63 =	vld [tilespmem:s20+$0xFFFFFFC0];
	s28 =	sshll.u32 s16, $0x7;
	s15 =	smul.u32 $0x3000, s15;
	[tilespmem:s18+$0x1020 ss:$0x81] =	vst.msk $0xffff, v58  }
0x15: {  	s30 =	sand.u32 $0x78, s14;
	s16 =	sand.u32 $0x380, s28;
	[tilespmem:s18+$0x1830 ss:$0x81] =	vst.msk $0xffff, v59;
	s29 =	smul.u32 $0x60, s27  }
0x16: {  	s31 =	sand.u32 $0x7, s14;
	s16 =	sor.u32 s30, s16;
	[tilespmem:s18+$0x2040 ss:$0x81] =	vst.msk $0xffff, v60  }
0x17: {  	s15 =	sadd.s32 s2, s15;
	s16 =	sshrl.u32 s16, $0x3;
	[tilespmem:s18+$0x2850 ss:$0x81] =	vst.msk $0xffff, v61;
	s19 =	ssub.s32 s26, s29  }
0x18: {  	s14 =	sshll.u32 s31, $0x12;
	s15 =	sadd.s32 s16, s15;
	[tilespmem:s18+$0x3060 ss:$0x81] =	vst.msk $0xffff, v62;
	s19 =	sshll.u32 s19, $0x7  }
0x19: {  	s14 =	sor.u32 $0x80, s14;
	[tilespmem:s18+$0x0 ss:$0x81] =	vst.msk $0xffff, v63;
	s15 =	sadd.s32 s19, s15  }
0x1a: {  	[hbm4b:s15+s14] =	stream.strided.scatter [tilespmem:s17], [sflag:$0x2], $0x4000, s9, s14, $0x20;
	[tilespmem:$0x10100] =	vst v63  }
.LBB1_5:
0x1b: {  	s17 =	sadd.s32 $0x80, s10  }
0x1c: {  	s14 =	sadd.s32 $0x4, s11;
	s18 =	smov.u32 s11;
	p2 =	sgt.s32 s17, $0xFF  }
0x1d: {  	s18 =	smov.u32 @p2 s14  }
0x1e: {  	s20 =	smov.u32 s12;
	s14 =	sadd.s32 $0x400, s12;
	p3 =	sgt.s32 s18, $0x5F  }
0x1f: {  	s20 =	smov.u32 @p3 s14  }
0x20: {  	s17 =	simm.s32 @p2 $0x0;
	p2 =	sgt.s32 s20, $0x3FF  }
0x21: {  	p1 =	slt.u32 s13, $0x2;
	s20 =	smov.u32 @p2 s3;
	p2 =	sne.s32 s13, s8  }
.Ltmp1:
0x22: {  	s19 =	simm.s32 @!p1 $0x2;
	(pc) =	sbr.rel @!p2 .LBB1_6-.Ltmp1, $4  }
0x23: {  	s15 =	smov.u32 s10;
	s16 =	smov.u32 s11;
	_ =	swait.ge @!p1 [sflag:s19], $0x4000  }
0x24: {  	p0 =	por !p0, !p0;
	[sflag:s19] =	ssyncset.done @!p1 $0x0;
	s10 =	smov.u32 s17  }
0x25: {  	s18 =	smov.u32 @p3 s7;
	s14 =	smov.u32 s12;
	[sflag:s19] =	ssyncadd.s32 @!p1 $0xFFFFC000  }
0x26: {  	s11 =	smov.u32 s18;
	s13 =	sadd.s32 $0x1, s13;
	s12 =	smov.u32 s20  }
.LBB1_1:
0x27: {  	p1 =	sge.u32 s13, s6  }
0x28: {  	s17 =	sshll.u32 @!p1 s11, $0x8;
	s18 =	sshll.u32 @!p1 s10, $0x3  }
0x29: {  	s19 =	sshll.u32 @!p1 s11, $0x7;
	s17 =	sand.u32 @!p1 $0xFFFFF800, s17;
	s18 =	sand.u32 @!p1 $0xFFFFFC00, s18  }
0x2a: {  	s17 =	sadd.s32 @!p1 s17, s18;
	s18 =	sand.u32 @!p1 $0x300, s19  }
0x2b: {  	s17 =	sor.u32 @!p1 s18, s17  }
0x2c: {  	s17 =	sshrl.u32 @!p1 s17, $0x8  }
0x2d: {  	s31 =	sadd.s32 $0xFFFFFFFF, s13;
	s18 =	smulhi.u32 @!p1 $0x2AAAAAB, s17  }
0x2e: {  	s20 =	sxor.u32 @!p1 $0xFFFFFFFF, s13;
	s21 =	sand.u32 @!p1 $0x78, s10;
	s22 =	smul.u32 @!p1 $0xC00, s12  }
0x2f: {  	s20 =	sshll.u32 @!p1 s20, $0xE;
	s19 =	sand.u32 @!p1 $0x80, s19;
	s18 =	smul.u32 @!p1 $0x60, s18  }
0x30: {  	s20 =	sand.u32 @!p1 $0x4000, s20;
	s19 =	sor.u32 @!p1 s21, s19;
	s21 =	sand.u32 @!p1 $0x7, s10  }
0x31: {  	s17 =	ssub.s32 @!p1 s17, s18;
	s18 =	sshrl.u32 @!p1 s19, $0x3;
	s19 =	sadd.s32 @!p1 s4, s22  }
0x32: {  	s17 =	sshll.u32 @!p1 s17, $0x5;
	s18 =	sadd.s32 @!p1 s18, s19;
	s19 =	sshll.u32 @!p1 s21, $0x12  }
0x33: {  	s17 =	sadd.s32 @!p1 s17, s18;
	s18 =	sor.u32 @!p1 $0x80, s19;
	s19 =	simm.s32 @!p1 $0x6000  }
0x34: {  	[tilespmem:s20], [sflag:$0x1] =	stream.strided.gather @!p1 [hbm4b:s17+s18], $0x4000, s19, s18, $0x38;
	[tilespmem:$0x10100] =	vst v63  }
0x35: {  	p1 =	sge.u32 s31, s6  }
.Ltmp2:
0x36: {  	_ = 	snop;
	(pc) =	sbr.rel @p1 .LBB1_5-.Ltmp2, $1  }
0x37: {  	_ =	sdelay $0x3  }
0x38: {  	s17 =	simm.s32 $0x1  }
0x39: {  	_ =	swait.ge [sflag:s5], $0x4000;
	s17 =	simm.s32 @!p0 $0x0  }
0x3a: {  	[sflag:s5] =	ssyncset.done $0x0;
	s18 =	sshll.u32 s17, $0xE  }
0x3b: {  	[sflag:s5] =	ssyncadd.s32 $0xFFFFC000;
	s20 =	sor.u32 $0x40, s18  }
0x3c: {  	s17 =	smul.u32 $0x10200, s17;
	v0 =	vld [tilespmem:s20+$0x30]  }
0x3d: {  	v1 =	vld [tilespmem:s20+$0xFFFFFFD0]  }
0x3e: {  	s17 =	sshrl.u32 s17, $0x2;
	v5 =	vld [tilespmem:s20+$0xFFFFFFE0]  }
0x3f: {  	v6 =	vld [tilespmem:s20+$0xFFFFFFF0];
	s18 =	sor.u32 $0x8000, s17  }
0x40: {  	s31 =	sand.u32 $0x1, s13;
	v4 =	vld [tilespmem:s20+$0x0];
	s19 =	sadd.s32 $0x0, s18  }
0x41: {  	v3 =	vld [tilespmem:s20+$0x10];
	s17 =	smul.u32 $0x10200, s31;
	[tilespmem:s19+$0x3870 ss:$0x81] =	vst.msk $0xffff, v0  }
0x42: {  	v2 =	vld [tilespmem:s20+$0x20];
	[tilespmem:s19+$0x810 ss:$0x81] =	vst.msk $0xffff, v1  }
0x43: {  	s17 =	sshrl.u32 s17, $0x2;
	v0 =	vld [tilespmem:s20+$0xFFFFFFC0];
	[tilespmem:s19+$0x1020 ss:$0x81] =	vst.msk $0xffff, v5;
	s20 =	sadd.s32 $0x80, s20  }
0x44: {  	s21 =	simm.s32 $0x4;
	s22 =	simm.s32 $0x8;
	s17 =	sor.u32 $0x8000, s17;
	[tilespmem:s19+$0x1830 ss:$0x81] =	vst.msk $0xffff, v6;
	v1 =	vld [tilespmem:s20+$0x30]  }
.LBB1_3:
0x45: {  	p1 =	sne.s32 s22, $0x1FC;
	v5 =	vld [tilespmem:s20+$0xFFFFFFD0];
	[tilespmem:s19+$0x2040 ss:$0x81] =	vst.msk $0xffff, v4  }
0x46: {  	v6 =	vld [tilespmem:s20+$0xFFFFFFE0];
	[tilespmem:s19+$0x2850 ss:$0x81] =	vst.msk $0xffff, v3  }
0x47: {  	s23 =	sshra.s32 s21, $0x2;
	s21 =	smov.u32 s22;
	v7 =	vld [tilespmem:s20+$0xFFFFFFF0];
	[tilespmem:s19+$0x3060 ss:$0x81] =	vst.msk $0xffff, v2  }
.Ltmp3:
0x48: {  	v4 =	vld [tilespmem:s20+$0x0];
	[tilespmem:s19+$0x0 ss:$0x81] =	vst.msk $0xffff, v0;
	s19 =	sadd.s32 s23, s18;
	(pc) =	sbr.rel @p1 .LBB1_3-.Ltmp3, $4  }
0x49: {  	v3 =	vld [tilespmem:s20+$0x10];
	[tilespmem:s19+$0x3870 ss:$0x81] =	vst.msk $0xffff, v1  }
0x4a: {  	[tilespmem:s19+$0x810 ss:$0x81] =	vst.msk $0xffff, v5;
	v2 =	vld [tilespmem:s20+$0x20]  }
0x4b: {  	v0 =	vld [tilespmem:s20+$0xFFFFFFC0];
	[tilespmem:s19+$0x1020 ss:$0x81] =	vst.msk $0xffff, v6;
	s20 =	sadd.s32 $0x80, s20  }
0x4c: {  	s22 =	sadd.s32 $0x4, s22;
	v1 =	vld [tilespmem:s20+$0x30];
	[tilespmem:s19+$0x1830 ss:$0x81] =	vst.msk $0xffff, v7  }
.Ltmp4:
0x4d: {  	_ = 	snop;
	(pc) =	sbr.rel .LBB1_4-.Ltmp4, $1  }
0x4e: {  	_ =	sdelay $0x3  }
.LBB1_6:
0x4f: {  	_ =	sfence.sel $0x180000  }
0x50: {  	s2 =	simm.s32 $0x1;
	[bflag:$0x0] =	sbarrier.arrive $0xFFFF  }
0x51: {  	s31 =	simm.s32 $0x2;
	[sflag:s2] =	ssyncpa.u1 $0x1  }
0x52: {  	[sflag:s31] =	ssyncpa.u1 $0x1  }
0x53: {  	p0 =	sne.s32 s0, $0x0;
	_ =	strace $0x90000047  }
0x54: {  	s0 =	sadd.s32 @!p0 $0x100000, s1;
	[bflag:$0x2] =	sbarrier.arrive $0xFFFF  }
0x55: {  	[sflag:s0] =	ssyncadd.tile.s32 @!p0 $0x1;
	_ =	shalt  }
.Lfunc_end1:
_tile_overlayer_lowered:
.L_overlay_start_2:
0x56: {  	(tag) =	ssettag $0x2  }
0x57: {  	s0 =	rddreg [dreg:$0x0];
	s2 =	stileid.u32  }
0x58: {  	s1 =	rddreg [dreg:$0x1];
	p0 =	sne.s32 s2, $0x0  }
0x59: {  	s3 =	rddreg [dreg:$0x2];
	[bflag:$0x3] =	sbarrier.arrive $0xFFFF;
	s2 =	simm.s32 @!p0 $0x1C01  }
0x5a: {  	[timem:s3], [sflag:s2] =	dma.local @!p0 [hbm:s0], s1  }
0x5b: {  	s0 =	simm.s32 @!p0 $0x1  }
0x5c: {  	_ =	swait.ge @!p0 [sflag:s0], s1  }
0x5d: {  	s1 =	ssub.s32 @!p0 $0x0, s1;
	[sflag:s0] =	ssyncset.done @!p0 $0x0  }
0x5e: {  	[sflag:s0] =	ssyncadd.s32 @!p0 s1  }
0x5f: {  	[bflag:$0x3] =	sbarrier.arrive $0xFFFF  }
0x60: {  	_ =	shalt  }

</sc_bundles>
